<compile_context>
chip_gen: v7x
topology: tpu7x:2x2x1
jax: 0.10.2.dev20260603
libtpu: 0.0.44.dev20260713+nightly
codegen_flags: <defaults>
</compile_context>

<pallas_src>
import functools

import jax
import jax.numpy as jnp
from jax import lax
from jax.experimental import pallas as pl
from jax.experimental.pallas import tpu as pltpu
from jax.experimental.pallas import tpu_sc as plsc


def _pose_emb_sc(pose_W, p, b):
    n, d = pose_W.shape
    info = plsc.get_sparse_core_info()
    nw = info.num_cores * info.num_subcores
    assert b == nw
    mesh = plsc.VectorSubcoreMesh(core_axis_name="c", subcore_axis_name="s")

    @functools.partial(
        pl.kernel, mesh=mesh,
        out_type=jax.ShapeDtypeStruct((b, 2 * d), jnp.float32),
        scratch_types=[
            pltpu.VMEM((1,), jnp.int32),
            pltpu.VMEM((1, d), jnp.float32),
            pltpu.SemaphoreType.DMA,
        ],
    )
    def k(pose_hbm, p_hbm, out_hbm, idx_v, row_v, sem):
        wid = lax.axis_index("s") * info.num_cores + lax.axis_index("c")
        pltpu.sync_copy(p_hbm, idx_v)
        pltpu.async_copy(pose_hbm.at[idx_v], row_v, sem).wait()
        pltpu.sync_copy(row_v.at[0], out_hbm.at[wid, pl.ds(0, d)])
        pltpu.sync_copy(row_v.at[0], out_hbm.at[wid, pl.ds(d, d)])

    return k(pose_W, jnp.reshape(p, (1,)).astype(jnp.int32))


def kernel(x, row_W, col_W, pose_W, p):
    b, _, h, w = x.shape
    d = row_W.shape[1]

    p_emb = _pose_emb_sc(pose_W, p, b)

    group = 4
    nsem = 8

    def body(row_ref, col_ref, mt_ref, scratch, sem):
        col_s = col_ref[1:w + 1, :]
        row_s = row_ref[1:h + 1, :]
        bc_col = jnp.broadcast_to(col_s[None, None, :, :], (group, h, w, d))
        bc_row = jnp.broadcast_to(row_s[None, :, None, :], (group, h, w, d))
        scratch[...] = jnp.concatenate([bc_col, bc_row], axis=-1)
        copies = [
            pltpu.make_async_copy(
                scratch, mt_ref.at[pl.ds(i * group, group)],
                sem.at[i % nsem])
            for i in range(b // group)
        ]
        for c in copies:
            c.start()
        for c in copies:
            c.wait()

    m_t = pl.pallas_call(
        body,
        grid=(1,),
        in_specs=[
            pl.BlockSpec(row_W.shape, lambda i: (0, 0)),
            pl.BlockSpec(col_W.shape, lambda i: (0, 0)),
        ],
        out_specs=pl.BlockSpec(memory_space=pl.ANY),
        out_shape=jax.ShapeDtypeStruct((b, h, w, 2 * d), jnp.float32),
        scratch_shapes=[
            pltpu.VMEM((group, h, w, 2 * d), jnp.float32),
            pltpu.SemaphoreType.DMA((nsem,)),
        ],
    )(row_W, col_W)

    return (p_emb, jnp.transpose(m_t, (0, 3, 1, 2)))

# --- scband reference (transcript-rebuilt; emitter-appended) ---
"""Pipeline reference for scband-position-embedding-learned-with-pose-token-25099788878149 (READ-ONLY COPY).

The authoritative reference and input builder live on the scoring server;
editing this copy changes nothing except your own understanding.
"""

import jax, jax.numpy as jnp
import numpy as np


def setup_inputs(seed: int = 0) -> dict:
    key = jax.random.key(seed)
    k1, k2, k3, k4 = jax.random.split(key, 4)
    x = jax.random.normal(k1, (32, 768, 24, 24), dtype=jnp.float32)
    row_W = jax.random.uniform(k2, (256, 256), dtype=jnp.float32)
    col_W = jax.random.uniform(k3, (256, 256), dtype=jnp.float32)
    pose_W = jax.random.uniform(k4, (256, 256), dtype=jnp.float32)
    p = jnp.array(0, dtype=jnp.int32)
    return {"x": x, "row_W": row_W, "col_W": col_W, "pose_W": pose_W, "p": p}


def reference(x, row_W, col_W, pose_W, p):
    b, c, h, w = x.shape
    i = jnp.arange(1, w + 1)
    j = jnp.arange(1, h + 1)
    # pose token embedding: gather row p, expand to (b, 2, d), flatten to (b, 2*d)
    p_vec = jnp.take(pose_W, p, axis=0)
    p_emb = jnp.broadcast_to(p_vec[None, None, :], (b, 2, pose_W.shape[1])).reshape(b, -1)
    # grid embeddings via gathers
    x_emb = jnp.take(col_W, i, axis=0)  # (w, d)
    y_emb = jnp.take(row_W, j, axis=0)  # (h, d)
    m = jnp.concatenate(
        (
            jnp.broadcast_to(x_emb[None, :, :], (h, w, x_emb.shape[1])),
            jnp.broadcast_to(y_emb[:, None, :], (h, w, y_emb.shape[1])),
        ),
        axis=-1,
    )  # (h, w, 2*d)
    m_emb = jnp.broadcast_to(jnp.transpose(m, (2, 0, 1))[None, ...], (b, m.shape[2], h, w))
    return (p_emb, m_emb)

if __name__ == "__main__":
    import jax
    _d = setup_inputs()
    print(jax.jit(kernel)(*tuple(_d.values())))

</pallas_src>

<mosaic_0001>
#map = affine_map<(d0, d1) -> (0, 0)>
#map1 = affine_map<(d0, d1) -> (0)>
module attributes {stable_mosaic.version = 14 : i64} {
  func.func @k(%arg0: i32, %arg1: i32, %arg2: memref<256x256xf32, #tpu.memory_space<hbm>>, %arg3: memref<1xi32, #tpu.memory_space<hbm>>, %arg4: memref<32x512xf32, #tpu.memory_space<hbm>>, %arg5: memref<1xi32, #tpu.memory_space<vmem>>, %arg6: memref<1x256xf32, #tpu.memory_space<vmem>>, %arg7: memref<!tpu.dma_semaphore, #tpu.memory_space<semaphore_mem>>) attributes {dimension_semantics = [#tpu.dimension_semantics<core_parallel>, #tpu.dimension_semantics<subcore_parallel>], iteration_bounds = array<i64: 2, 16>, scalar_prefetch = 0 : i64, scratch_operands = 3 : i64, tpu.core_type = #tpu.core_type<sc_vector_subcore>, window_params = [{transform_indices = #map}, {transform_indices = #map1}, {transform_indices = #map}]} {
    %mul3A = arith.constant 2 : i32
    %mul3A_0 = arith.muli %arg1, %mul3A : i32
    %add3A = arith.addi %mul3A_0, %arg0 : i32
    "tpu.region"() ({
      %run_scoped3A_6 = tpu.sem_alloc : memref<!tpu.dma_semaphore, #tpu.memory_space<semaphore_mem>>
      tpu.enqueue_dma source(%arg3 : memref<1xi32, #tpu.memory_space<hbm>>) target(%arg5 : memref<1xi32, #tpu.memory_space<vmem>>) target_semaphore(%run_scoped3A_6 : memref<!tpu.dma_semaphore, #tpu.memory_space<semaphore_mem>>)
      tpu.wait_dma2 semaphore(%run_scoped3A_6 : memref<!tpu.dma_semaphore, #tpu.memory_space<semaphore_mem>>) src(%arg3 : memref<1xi32, #tpu.memory_space<hbm>>) dst(%arg5 : memref<1xi32, #tpu.memory_space<vmem>>)
      tpu.yield
    }) : () -> ()
    %dma_start3A = arith.constant 0 : i32
    %dma_start3A_1 = arith.constant 0 : i32
    %dma_start3A_2 = tpu.memref_slice %arg2[%dma_start3A, %dma_start3A_1] : memref<256x256xf32, #tpu.memory_space<hbm>> -> memref<256x256xf32, #tpu.memory_space<hbm>>
    tpu.enqueue_indirect_dma source(%dma_start3A_2 : memref<256x256xf32, #tpu.memory_space<hbm>>) target(%arg6 : memref<1x256xf32, #tpu.memory_space<vmem>>) offsets(%arg5 : memref<1xi32, #tpu.memory_space<vmem>>) semaphore(%arg7 : memref<!tpu.dma_semaphore, #tpu.memory_space<semaphore_mem>>)
    %dma_wait3A = arith.constant 0 : i32
    %dma_wait3A_3 = arith.constant 0 : i32
    %dma_wait3A_4 = tpu.memref_slice %arg2[%dma_wait3A, %dma_wait3A_3] : memref<256x256xf32, #tpu.memory_space<hbm>> -> memref<256x256xf32, #tpu.memory_space<hbm>>
    tpu.wait_indirect_dma semaphore(%arg7 : memref<!tpu.dma_semaphore, #tpu.memory_space<semaphore_mem>>) src(%dma_wait3A_4 : memref<256x256xf32, #tpu.memory_space<hbm>>) dst(%arg6 : memref<1x256xf32, #tpu.memory_space<vmem>>)
    %run_scoped3A = arith.constant 0 : i32
    "tpu.region"() ({
      %run_scoped3A_6 = tpu.sem_alloc : memref<!tpu.dma_semaphore, #tpu.memory_space<semaphore_mem>>
      %dma_start3A_7 = arith.constant 0 : i32
      %dma_start3A_8 = tpu.memref_slice %arg6[%run_scoped3A, %dma_start3A_7] : memref<1x256xf32, #tpu.memory_space<vmem>> -> memref<1x256xf32, #tpu.memory_space<vmem>>
      %dma_start3A_9 = tpu.memref_squeeze %dma_start3A_8 : memref<1x256xf32, #tpu.memory_space<vmem>> -> memref<256xf32, #tpu.memory_space<vmem>>
      %dma_start3A_10 = arith.constant 0 : i32
      %dma_start3A_11 = tpu.memref_slice %arg4[%add3A, %dma_start3A_10] : memref<32x512xf32, #tpu.memory_space<hbm>> -> memref<1x256xf32, #tpu.memory_space<hbm>>
      %dma_start3A_12 = tpu.memref_squeeze %dma_start3A_11 : memref<1x256xf32, #tpu.memory_space<hbm>> -> memref<256xf32, #tpu.memory_space<hbm>>
      %dma_start3A_13 = arith.constant 0 : i32
      %dma_start3A_14 = tpu.memref_slice %arg4[%add3A, %dma_start3A_13] : memref<32x512xf32, #tpu.memory_space<hbm>> -> memref<1x256xf32, #tpu.memory_space<hbm>>
      %dma_start3A_15 = tpu.memref_squeeze %dma_start3A_14 : memref<1x256xf32, #tpu.memory_space<hbm>> -> memref<256xf32, #tpu.memory_space<hbm>>
      %dma_start3A_16 = arith.constant 0 : i32
      %dma_start3A_17 = tpu.memref_slice %arg6[%run_scoped3A, %dma_start3A_16] : memref<1x256xf32, #tpu.memory_space<vmem>> -> memref<1x256xf32, #tpu.memory_space<vmem>>
      %dma_start3A_18 = tpu.memref_squeeze %dma_start3A_17 : memref<1x256xf32, #tpu.memory_space<vmem>> -> memref<256xf32, #tpu.memory_space<vmem>>
      tpu.enqueue_dma source(%dma_start3A_18 : memref<256xf32, #tpu.memory_space<vmem>>) target(%dma_start3A_15 : memref<256xf32, #tpu.memory_space<hbm>>) target_semaphore(%run_scoped3A_6 : memref<!tpu.dma_semaphore, #tpu.memory_space<semaphore_mem>>)
      %dma_wait3A_19 = arith.constant 0 : i32
      %dma_wait3A_20 = tpu.memref_slice %arg6[%run_scoped3A, %dma_wait3A_19] : memref<1x256xf32, #tpu.memory_space<vmem>> -> memref<1x256xf32, #tpu.memory_space<vmem>>
      %dma_wait3A_21 = tpu.memref_squeeze %dma_wait3A_20 : memref<1x256xf32, #tpu.memory_space<vmem>> -> memref<256xf32, #tpu.memory_space<vmem>>
      %dma_wait3A_22 = arith.constant 0 : i32
      %dma_wait3A_23 = tpu.memref_slice %arg4[%add3A, %dma_wait3A_22] : memref<32x512xf32, #tpu.memory_space<hbm>> -> memref<1x256xf32, #tpu.memory_space<hbm>>
      %dma_wait3A_24 = tpu.memref_squeeze %dma_wait3A_23 : memref<1x256xf32, #tpu.memory_space<hbm>> -> memref<256xf32, #tpu.memory_space<hbm>>
      %dma_wait3A_25 = arith.constant 0 : i32
      %dma_wait3A_26 = tpu.memref_slice %arg4[%add3A, %dma_wait3A_25] : memref<32x512xf32, #tpu.memory_space<hbm>> -> memref<1x256xf32, #tpu.memory_space<hbm>>
      %dma_wait3A_27 = tpu.memref_squeeze %dma_wait3A_26 : memref<1x256xf32, #tpu.memory_space<hbm>> -> memref<256xf32, #tpu.memory_space<hbm>>
      %dma_wait3A_28 = arith.constant 0 : i32
      %dma_wait3A_29 = tpu.memref_slice %arg6[%run_scoped3A, %dma_wait3A_28] : memref<1x256xf32, #tpu.memory_space<vmem>> -> memref<1x256xf32, #tpu.memory_space<vmem>>
      %dma_wait3A_30 = tpu.memref_squeeze %dma_wait3A_29 : memref<1x256xf32, #tpu.memory_space<vmem>> -> memref<256xf32, #tpu.memory_space<vmem>>
      tpu.wait_dma2 semaphore(%run_scoped3A_6 : memref<!tpu.dma_semaphore, #tpu.memory_space<semaphore_mem>>) src(%dma_wait3A_30 : memref<256xf32, #tpu.memory_space<vmem>>) dst(%dma_wait3A_27 : memref<256xf32, #tpu.memory_space<hbm>>)
      tpu.yield
    }) : () -> ()
    %run_scoped3A_5 = arith.constant 0 : i32
    "tpu.region"() ({
      %run_scoped3A_6 = tpu.sem_alloc : memref<!tpu.dma_semaphore, #tpu.memory_space<semaphore_mem>>
      %dma_start3A_7 = arith.constant 0 : i32
      %dma_start3A_8 = tpu.memref_slice %arg6[%run_scoped3A_5, %dma_start3A_7] : memref<1x256xf32, #tpu.memory_space<vmem>> -> memref<1x256xf32, #tpu.memory_space<vmem>>
      %dma_start3A_9 = tpu.memref_squeeze %dma_start3A_8 : memref<1x256xf32, #tpu.memory_space<vmem>> -> memref<256xf32, #tpu.memory_space<vmem>>
      %dma_start3A_10 = arith.constant 256 : i32
      %dma_start3A_11 = tpu.memref_slice %arg4[%add3A, %dma_start3A_10] : memref<32x512xf32, #tpu.memory_space<hbm>> -> memref<1x256xf32, #tpu.memory_space<hbm>>
      %dma_start3A_12 = tpu.memref_squeeze %dma_start3A_11 : memref<1x256xf32, #tpu.memory_space<hbm>> -> memref<256xf32, #tpu.memory_space<hbm>>
      %dma_start3A_13 = arith.constant 256 : i32
      %dma_start3A_14 = tpu.memref_slice %arg4[%add3A, %dma_start3A_13] : memref<32x512xf32, #tpu.memory_space<hbm>> -> memref<1x256xf32, #tpu.memory_space<hbm>>
      %dma_start3A_15 = tpu.memref_squeeze %dma_start3A_14 : memref<1x256xf32, #tpu.memory_space<hbm>> -> memref<256xf32, #tpu.memory_space<hbm>>
      %dma_start3A_16 = arith.constant 0 : i32
      %dma_start3A_17 = tpu.memref_slice %arg6[%run_scoped3A_5, %dma_start3A_16] : memref<1x256xf32, #tpu.memory_space<vmem>> -> memref<1x256xf32, #tpu.memory_space<vmem>>
      %dma_start3A_18 = tpu.memref_squeeze %dma_start3A_17 : memref<1x256xf32, #tpu.memory_space<vmem>> -> memref<256xf32, #tpu.memory_space<vmem>>
      tpu.enqueue_dma source(%dma_start3A_18 : memref<256xf32, #tpu.memory_space<vmem>>) target(%dma_start3A_15 : memref<256xf32, #tpu.memory_space<hbm>>) target_semaphore(%run_scoped3A_6 : memref<!tpu.dma_semaphore, #tpu.memory_space<semaphore_mem>>)
      %dma_wait3A_19 = arith.constant 0 : i32
      %dma_wait3A_20 = tpu.memref_slice %arg6[%run_scoped3A_5, %dma_wait3A_19] : memref<1x256xf32, #tpu.memory_space<vmem>> -> memref<1x256xf32, #tpu.memory_space<vmem>>
      %dma_wait3A_21 = tpu.memref_squeeze %dma_wait3A_20 : memref<1x256xf32, #tpu.memory_space<vmem>> -> memref<256xf32, #tpu.memory_space<vmem>>
      %dma_wait3A_22 = arith.constant 256 : i32
      %dma_wait3A_23 = tpu.memref_slice %arg4[%add3A, %dma_wait3A_22] : memref<32x512xf32, #tpu.memory_space<hbm>> -> memref<1x256xf32, #tpu.memory_space<hbm>>
      %dma_wait3A_24 = tpu.memref_squeeze %dma_wait3A_23 : memref<1x256xf32, #tpu.memory_space<hbm>> -> memref<256xf32, #tpu.memory_space<hbm>>
      %dma_wait3A_25 = arith.constant 256 : i32
      %dma_wait3A_26 = tpu.memref_slice %arg4[%add3A, %dma_wait3A_25] : memref<32x512xf32, #tpu.memory_space<hbm>> -> memref<1x256xf32, #tpu.memory_space<hbm>>
      %dma_wait3A_27 = tpu.memref_squeeze %dma_wait3A_26 : memref<1x256xf32, #tpu.memory_space<hbm>> -> memref<256xf32, #tpu.memory_space<hbm>>
      %dma_wait3A_28 = arith.constant 0 : i32
      %dma_wait3A_29 = tpu.memref_slice %arg6[%run_scoped3A_5, %dma_wait3A_28] : memref<1x256xf32, #tpu.memory_space<vmem>> -> memref<1x256xf32, #tpu.memory_space<vmem>>
      %dma_wait3A_30 = tpu.memref_squeeze %dma_wait3A_29 : memref<1x256xf32, #tpu.memory_space<vmem>> -> memref<256xf32, #tpu.memory_space<vmem>>
      tpu.wait_dma2 semaphore(%run_scoped3A_6 : memref<!tpu.dma_semaphore, #tpu.memory_space<semaphore_mem>>) src(%dma_wait3A_30 : memref<256xf32, #tpu.memory_space<vmem>>) dst(%dma_wait3A_27 : memref<256xf32, #tpu.memory_space<hbm>>)
      tpu.yield
    }) : () -> ()
    return
  }
}

module attributes {stable_mosaic.version = 14 : i64} {
  func.func @body(%arg0: i32, %arg1: memref<256x256xf32, #tpu.memory_space<vmem>>, %arg2: memref<256x256xf32, #tpu.memory_space<vmem>>, %arg3: memref<32x24x24x512xf32, #tpu.memory_space<any>>, %arg4: memref<4x24x24x512xf32, #tpu.memory_space<vmem>>, %arg5: memref<8x!tpu.dma_semaphore, #tpu.memory_space<semaphore_mem>>) attributes {dimension_semantics = [#tpu.dimension_semantics<arbitrary>], iteration_bounds = array<i64: 1>, scalar_prefetch = 0 : i64, scratch_operands = 2 : i64, tpu.core_type = #tpu.core_type<tc>, window_params = [{pipeline_mode = #tpu.pipeline_mode<synchronous>, transform_indices = @transform_0, window_bounds = array<i64: 256, 256>}, {pipeline_mode = #tpu.pipeline_mode<synchronous>, transform_indices = @transform_1, window_bounds = array<i64: 256, 256>}, {}]} {
    %get3A = arith.constant 1 : index
    %get3A_0 = arith.constant 0 : index
    %get3A_1 = vector.load %arg2[%get3A, %get3A_0] : memref<256x256xf32, #tpu.memory_space<vmem>>, vector<24x256xf32>
    %get3A_2 = arith.constant 1 : index
    %get3A_3 = arith.constant 0 : index
    %get3A_4 = vector.load %arg1[%get3A_2, %get3A_3] : memref<256x256xf32, #tpu.memory_space<vmem>>, vector<24x256xf32>
    %broadcast_in_dim3A = vector.shape_cast %get3A_1 : vector<24x256xf32> to vector<1x1x24x256xf32>
    %broadcast_in_dim3A_5 = vector.shape_cast %broadcast_in_dim3A : vector<1x1x24x256xf32> to vector<1x1x24x256xf32>
    %broadcast_in_dim3A_6 = vector.broadcast %broadcast_in_dim3A_5 : vector<1x1x24x256xf32> to vector<4x24x24x256xf32>
    %broadcast_in_dim3A_7 = vector.shape_cast %get3A_4 : vector<24x256xf32> to vector<1x24x1x256xf32>
    %broadcast_in_dim3A_8 = vector.shape_cast %broadcast_in_dim3A_7 : vector<1x24x1x256xf32> to vector<1x24x1x256xf32>
    %broadcast_in_dim3A_9 = vector.broadcast %broadcast_in_dim3A_8 : vector<1x24x1x256xf32> to vector<4x24x24x256xf32>
    %concatenate3A = tpu.concatenate %broadcast_in_dim3A_6, %broadcast_in_dim3A_9 in 3 : vector<4x24x24x256xf32>, vector<4x24x24x256xf32> -> vector<4x24x24x512xf32>
    %swap3A = arith.constant 0 : index
    %swap3A_10 = arith.constant 0 : index
    %swap3A_11 = arith.constant 0 : index
    %swap3A_12 = arith.constant 0 : index
    %swap3A_13 = vector.load %arg4[%swap3A, %swap3A_10, %swap3A_11, %swap3A_12] : memref<4x24x24x512xf32, #tpu.memory_space<vmem>>, vector<4x24x24x512xf32>
    tpu.vector_store %arg4[%swap3A, %swap3A_10, %swap3A_11, %swap3A_12], %concatenate3A {strides = array<i32>} : memref<4x24x24x512xf32, #tpu.memory_space<vmem>>, vector<4x24x24x512xf32>,
    %dma_start3A = arith.constant 0 : i32
    %dma_start3A_14 = tpu.memref_slice %arg5[%dma_start3A] : memref<8x!tpu.dma_semaphore, #tpu.memory_space<semaphore_mem>> -> memref<1x!tpu.dma_semaphore, #tpu.memory_space<semaphore_mem>>
    %dma_start3A_15 = tpu.memref_squeeze %dma_start3A_14 : memref<1x!tpu.dma_semaphore, #tpu.memory_space<semaphore_mem>> -> memref<!tpu.dma_semaphore, #tpu.memory_space<semaphore_mem>>
    %dma_start3A_16 = arith.constant 0 : i32
    %dma_start3A_17 = arith.constant 0 : i32
    %dma_start3A_18 = arith.constant 0 : i32
    %dma_start3A_19 = arith.constant 0 : i32
    %dma_start3A_20 = tpu.memref_slice %arg3[%dma_start3A_16, %dma_start3A_17, %dma_start3A_18, %dma_start3A_19] : memref<32x24x24x512xf32, #tpu.memory_space<any>> -> memref<4x24x24x512xf32, #tpu.memory_space<any>>
    tpu.enqueue_dma source(%arg4 : memref<4x24x24x512xf32, #tpu.memory_space<vmem>>) target(%dma_start3A_20 : memref<4x24x24x512xf32, #tpu.memory_space<any>>) target_semaphore(%dma_start3A_15 : memref<!tpu.dma_semaphore, #tpu.memory_space<semaphore_mem>>)
    %dma_start3A_21 = arith.constant 1 : i32
    %dma_start3A_22 = tpu.memref_slice %arg5[%dma_start3A_21] : memref<8x!tpu.dma_semaphore, #tpu.memory_space<semaphore_mem>> -> memref<1x!tpu.dma_semaphore, #tpu.memory_space<semaphore_mem>>
    %dma_start3A_23 = tpu.memref_squeeze %dma_start3A_22 : memref<1x!tpu.dma_semaphore, #tpu.memory_space<semaphore_mem>> -> memref<!tpu.dma_semaphore, #tpu.memory_space<semaphore_mem>>
    %dma_start3A_24 = arith.constant 4 : i32
    %dma_start3A_25 = arith.constant 0 : i32
    %dma_start3A_26 = arith.constant 0 : i32
    %dma_start3A_27 = arith.constant 0 : i32
    %dma_start3A_28 = tpu.memref_slice %arg3[%dma_start3A_24, %dma_start3A_25, %dma_start3A_26, %dma_start3A_27] : memref<32x24x24x512xf32, #tpu.memory_space<any>> -> memref<4x24x24x512xf32, #tpu.memory_space<any>>
    tpu.enqueue_dma source(%arg4 : memref<4x24x24x512xf32, #tpu.memory_space<vmem>>) target(%dma_start3A_28 : memref<4x24x24x512xf32, #tpu.memory_space<any>>) target_semaphore(%dma_start3A_23 : memref<!tpu.dma_semaphore, #tpu.memory_space<semaphore_mem>>)
    %dma_start3A_29 = arith.constant 2 : i32
    %dma_start3A_30 = tpu.memref_slice %arg5[%dma_start3A_29] : memref<8x!tpu.dma_semaphore, #tpu.memory_space<semaphore_mem>> -> memref<1x!tpu.dma_semaphore, #tpu.memory_space<semaphore_mem>>
    %dma_start3A_31 = tpu.memref_squeeze %dma_start3A_30 : memref<1x!tpu.dma_semaphore, #tpu.memory_space<semaphore_mem>> -> memref<!tpu.dma_semaphore, #tpu.memory_space<semaphore_mem>>
    %dma_start3A_32 = arith.constant 8 : i32
    %dma_start3A_33 = arith.constant 0 : i32
    %dma_start3A_34 = arith.constant 0 : i32
    %dma_start3A_35 = arith.constant 0 : i32
    %dma_start3A_36 = tpu.memref_slice %arg3[%dma_start3A_32, %dma_start3A_33, %dma_start3A_34, %dma_start3A_35] : memref<32x24x24x512xf32, #tpu.memory_space<any>> -> memref<4x24x24x512xf32, #tpu.memory_space<any>>
    tpu.enqueue_dma source(%arg4 : memref<4x24x24x512xf32, #tpu.memory_space<vmem>>) target(%dma_start3A_36 : memref<4x24x24x512xf32, #tpu.memory_space<any>>) target_semaphore(%dma_start3A_31 : memref<!tpu.dma_semaphore, #tpu.memory_space<semaphore_mem>>)
    %dma_start3A_37 = arith.constant 3 : i32
    %dma_start3A_38 = tpu.memref_slice %arg5[%dma_start3A_37] : memref<8x!tpu.dma_semaphore, #tpu.memory_space<semaphore_mem>> -> memref<1x!tpu.dma_semaphore, #tpu.memory_space<semaphore_mem>>
    %dma_start3A_39 = tpu.memref_squeeze %dma_start3A_38 : memref<1x!tpu.dma_semaphore, #tpu.memory_space<semaphore_mem>> -> memref<!tpu.dma_semaphore, #tpu.memory_space<semaphore_mem>>
    %dma_start3A_40 = arith.constant 12 : i32
    %dma_start3A_41 = arith.constant 0 : i32
    %dma_start3A_42 = arith.constant 0 : i32
    %dma_start3A_43 = arith.constant 0 : i32
    %dma_start3A_44 = tpu.memref_slice %arg3[%dma_start3A_40, %dma_start3A_41, %dma_start3A_42, %dma_start3A_43] : memref<32x24x24x512xf32, #tpu.memory_space<any>> -> memref<4x24x24x512xf32, #tpu.memory_space<any>>
    tpu.enqueue_dma source(%arg4 : memref<4x24x24x512xf32, #tpu.memory_space<vmem>>) target(%dma_start3A_44 : memref<4x24x24x512xf32, #tpu.memory_space<any>>) target_semaphore(%dma_start3A_39 : memref<!tpu.dma_semaphore, #tpu.memory_space<semaphore_mem>>)
    %dma_start3A_45 = arith.constant 4 : i32
    %dma_start3A_46 = tpu.memref_slice %arg5[%dma_start3A_45] : memref<8x!tpu.dma_semaphore, #tpu.memory_space<semaphore_mem>> -> memref<1x!tpu.dma_semaphore, #tpu.memory_space<semaphore_mem>>
    %dma_start3A_47 = tpu.memref_squeeze %dma_start3A_46 : memref<1x!tpu.dma_semaphore, #tpu.memory_space<semaphore_mem>> -> memref<!tpu.dma_semaphore, #tpu.memory_space<semaphore_mem>>
    %dma_start3A_48 = arith.constant 16 : i32
    %dma_start3A_49 = arith.constant 0 : i32
    %dma_start3A_50 = arith.constant 0 : i32
    %dma_start3A_51 = arith.constant 0 : i32
    %dma_start3A_52 = tpu.memref_slice %arg3[%dma_start3A_48, %dma_start3A_49, %dma_start3A_50, %dma_start3A_51] : memref<32x24x24x512xf32, #tpu.memory_space<any>> -> memref<4x24x24x512xf32, #tpu.memory_space<any>>
    tpu.enqueue_dma source(%arg4 : memref<4x24x24x512xf32, #tpu.memory_space<vmem>>) target(%dma_start3A_52 : memref<4x24x24x512xf32, #tpu.memory_space<any>>) target_semaphore(%dma_start3A_47 : memref<!tpu.dma_semaphore, #tpu.memory_space<semaphore_mem>>)
    %dma_start3A_53 = arith.constant 5 : i32
    %dma_start3A_54 = tpu.memref_slice %arg5[%dma_start3A_53] : memref<8x!tpu.dma_semaphore, #tpu.memory_space<semaphore_mem>> -> memref<1x!tpu.dma_semaphore, #tpu.memory_space<semaphore_mem>>
    %dma_start3A_55 = tpu.memref_squeeze %dma_start3A_54 : memref<1x!tpu.dma_semaphore, #tpu.memory_space<semaphore_mem>> -> memref<!tpu.dma_semaphore, #tpu.memory_space<semaphore_mem>>
    %dma_start3A_56 = arith.constant 20 : i32
    %dma_start3A_57 = arith.constant 0 : i32
    %dma_start3A_58 = arith.constant 0 : i32
    %dma_start3A_59 = arith.constant 0 : i32
    %dma_start3A_60 = tpu.memref_slice %arg3[%dma_start3A_56, %dma_start3A_57, %dma_start3A_58, %dma_start3A_59] : memref<32x24x24x512xf32, #tpu.memory_space<any>> -> memref<4x24x24x512xf32, #tpu.memory_space<any>>
    tpu.enqueue_dma source(%arg4 : memref<4x24x24x512xf32, #tpu.memory_space<vmem>>) target(%dma_start3A_60 : memref<4x24x24x512xf32, #tpu.memory_space<any>>) target_semaphore(%dma_start3A_55 : memref<!tpu.dma_semaphore, #tpu.memory_space<semaphore_mem>>)
    %dma_start3A_61 = arith.constant 6 : i32
    %dma_start3A_62 = tpu.memref_slice %arg5[%dma_start3A_61] : memref<8x!tpu.dma_semaphore, #tpu.memory_space<semaphore_mem>> -> memref<1x!tpu.dma_semaphore, #tpu.memory_space<semaphore_mem>>
    %dma_start3A_63 = tpu.memref_squeeze %dma_start3A_62 : memref<1x!tpu.dma_semaphore, #tpu.memory_space<semaphore_mem>> -> memref<!tpu.dma_semaphore, #tpu.memory_space<semaphore_mem>>
    %dma_start3A_64 = arith.constant 24 : i32
    %dma_start3A_65 = arith.constant 0 : i32
    %dma_start3A_66 = arith.constant 0 : i32
    %dma_start3A_67 = arith.constant 0 : i32
    %dma_start3A_68 = tpu.memref_slice %arg3[%dma_start3A_64, %dma_start3A_65, %dma_start3A_66, %dma_start3A_67] : memref<32x24x24x512xf32, #tpu.memory_space<any>> -> memref<4x24x24x512xf32, #tpu.memory_space<any>>
    tpu.enqueue_dma source(%arg4 : memref<4x24x24x512xf32, #tpu.memory_space<vmem>>) target(%dma_start3A_68 : memref<4x24x24x512xf32, #tpu.memory_space<any>>) target_semaphore(%dma_start3A_63 : memref<!tpu.dma_semaphore, #tpu.memory_space<semaphore_mem>>)
    %dma_start3A_69 = arith.constant 7 : i32
    %dma_start3A_70 = tpu.memref_slice %arg5[%dma_start3A_69] : memref<8x!tpu.dma_semaphore, #tpu.memory_space<semaphore_mem>> -> memref<1x!tpu.dma_semaphore, #tpu.memory_space<semaphore_mem>>
    %dma_start3A_71 = tpu.memref_squeeze %dma_start3A_70 : memref<1x!tpu.dma_semaphore, #tpu.memory_space<semaphore_mem>> -> memref<!tpu.dma_semaphore, #tpu.memory_space<semaphore_mem>>
    %dma_start3A_72 = arith.constant 28 : i32
    %dma_start3A_73 = arith.constant 0 : i32
    %dma_start3A_74 = arith.constant 0 : i32
    %dma_start3A_75 = arith.constant 0 : i32
    %dma_start3A_76 = tpu.memref_slice %arg3[%dma_start3A_72, %dma_start3A_73, %dma_start3A_74, %dma_start3A_75] : memref<32x24x24x512xf32, #tpu.memory_space<any>> -> memref<4x24x24x512xf32, #tpu.memory_space<any>>
    tpu.enqueue_dma source(%arg4 : memref<4x24x24x512xf32, #tpu.memory_space<vmem>>) target(%dma_start3A_76 : memref<4x24x24x512xf32, #tpu.memory_space<any>>) target_semaphore(%dma_start3A_71 : memref<!tpu.dma_semaphore, #tpu.memory_space<semaphore_mem>>)
    %dma_wait3A = arith.constant 0 : i32
    %dma_wait3A_77 = tpu.memref_slice %arg5[%dma_wait3A] : memref<8x!tpu.dma_semaphore, #tpu.memory_space<semaphore_mem>> -> memref<1x!tpu.dma_semaphore, #tpu.memory_space<semaphore_mem>>
    %dma_wait3A_78 = tpu.memref_squeeze %dma_wait3A_77 : memref<1x!tpu.dma_semaphore, #tpu.memory_space<semaphore_mem>> -> memref<!tpu.dma_semaphore, #tpu.memory_space<semaphore_mem>>
    %dma_wait3A_79 = arith.constant 0 : i32
    %dma_wait3A_80 = arith.constant 0 : i32
    %dma_wait3A_81 = arith.constant 0 : i32
    %dma_wait3A_82 = arith.constant 0 : i32
    %dma_wait3A_83 = tpu.memref_slice %arg3[%dma_wait3A_79, %dma_wait3A_80, %dma_wait3A_81, %dma_wait3A_82] : memref<32x24x24x512xf32, #tpu.memory_space<any>> -> memref<4x24x24x512xf32, #tpu.memory_space<any>>
    tpu.wait_dma2 semaphore(%dma_wait3A_78 : memref<!tpu.dma_semaphore, #tpu.memory_space<semaphore_mem>>) src(%arg4 : memref<4x24x24x512xf32, #tpu.memory_space<vmem>>) dst(%dma_wait3A_83 : memref<4x24x24x512xf32, #tpu.memory_space<any>>)
    %dma_wait3A_84 = arith.constant 1 : i32
    %dma_wait3A_85 = tpu.memref_slice %arg5[%dma_wait3A_84] : memref<8x!tpu.dma_semaphore, #tpu.memory_space<semaphore_mem>> -> memref<1x!tpu.dma_semaphore, #tpu.memory_space<semaphore_mem>>
    %dma_wait3A_86 = tpu.memref_squeeze %dma_wait3A_85 : memref<1x!tpu.dma_semaphore, #tpu.memory_space<semaphore_mem>> -> memref<!tpu.dma_semaphore, #tpu.memory_space<semaphore_mem>>
    %dma_wait3A_87 = arith.constant 4 : i32
    %dma_wait3A_88 = arith.constant 0 : i32
    %dma_wait3A_89 = arith.constant 0 : i32
    %dma_wait3A_90 = arith.constant 0 : i32
    %dma_wait3A_91 = tpu.memref_slice %arg3[%dma_wait3A_87, %dma_wait3A_88, %dma_wait3A_89, %dma_wait3A_90] : memref<32x24x24x512xf32, #tpu.memory_space<any>> -> memref<4x24x24x512xf32, #tpu.memory_space<any>>
    tpu.wait_dma2 semaphore(%dma_wait3A_86 : memref<!tpu.dma_semaphore, #tpu.memory_space<semaphore_mem>>) src(%arg4 : memref<4x24x24x512xf32, #tpu.memory_space<vmem>>) dst(%dma_wait3A_91 : memref<4x24x24x512xf32, #tpu.memory_space<any>>)
    %dma_wait3A_92 = arith.constant 2 : i32
    %dma_wait3A_93 = tpu.memref_slice %arg5[%dma_wait3A_92] : memref<8x!tpu.dma_semaphore, #tpu.memory_space<semaphore_mem>> -> memref<1x!tpu.dma_semaphore, #tpu.memory_space<semaphore_mem>>
    %dma_wait3A_94 = tpu.memref_squeeze %dma_wait3A_93 : memref<1x!tpu.dma_semaphore, #tpu.memory_space<semaphore_mem>> -> memref<!tpu.dma_semaphore, #tpu.memory_space<semaphore_mem>>
    %dma_wait3A_95 = arith.constant 8 : i32
    %dma_wait3A_96 = arith.constant 0 : i32
    %dma_wait3A_97 = arith.constant 0 : i32
    %dma_wait3A_98 = arith.constant 0 : i32
    %dma_wait3A_99 = tpu.memref_slice %arg3[%dma_wait3A_95, %dma_wait3A_96, %dma_wait3A_97, %dma_wait3A_98] : memref<32x24x24x512xf32, #tpu.memory_space<any>> -> memref<4x24x24x512xf32, #tpu.memory_space<any>>
    tpu.wait_dma2 semaphore(%dma_wait3A_94 : memref<!tpu.dma_semaphore, #tpu.memory_space<semaphore_mem>>) src(%arg4 : memref<4x24x24x512xf32, #tpu.memory_space<vmem>>) dst(%dma_wait3A_99 : memref<4x24x24x512xf32, #tpu.memory_space<any>>)
    %dma_wait3A_100 = arith.constant 3 : i32
    %dma_wait3A_101 = tpu.memref_slice %arg5[%dma_wait3A_100] : memref<8x!tpu.dma_semaphore, #tpu.memory_space<semaphore_mem>> -> memref<1x!tpu.dma_semaphore, #tpu.memory_space<semaphore_mem>>
    %dma_wait3A_102 = tpu.memref_squeeze %dma_wait3A_101 : memref<1x!tpu.dma_semaphore, #tpu.memory_space<semaphore_mem>> -> memref<!tpu.dma_semaphore, #tpu.memory_space<semaphore_mem>>
    %dma_wait3A_103 = arith.constant 12 : i32
    %dma_wait3A_104 = arith.constant 0 : i32
    %dma_wait3A_105 = arith.constant 0 : i32
    %dma_wait3A_106 = arith.constant 0 : i32
    %dma_wait3A_107 = tpu.memref_slice %arg3[%dma_wait3A_103, %dma_wait3A_104, %dma_wait3A_105, %dma_wait3A_106] : memref<32x24x24x512xf32, #tpu.memory_space<any>> -> memref<4x24x24x512xf32, #tpu.memory_space<any>>
    tpu.wait_dma2 semaphore(%dma_wait3A_102 : memref<!tpu.dma_semaphore, #tpu.memory_space<semaphore_mem>>) src(%arg4 : memref<4x24x24x512xf32, #tpu.memory_space<vmem>>) dst(%dma_wait3A_107 : memref<4x24x24x512xf32, #tpu.memory_space<any>>)
    %dma_wait3A_108 = arith.constant 4 : i32
    %dma_wait3A_109 = tpu.memref_slice %arg5[%dma_wait3A_108] : memref<8x!tpu.dma_semaphore, #tpu.memory_space<semaphore_mem>> -> memref<1x!tpu.dma_semaphore, #tpu.memory_space<semaphore_mem>>
    %dma_wait3A_110 = tpu.memref_squeeze %dma_wait3A_109 : memref<1x!tpu.dma_semaphore, #tpu.memory_space<semaphore_mem>> -> memref<!tpu.dma_semaphore, #tpu.memory_space<semaphore_mem>>
    %dma_wait3A_111 = arith.constant 16 : i32
    %dma_wait3A_112 = arith.constant 0 : i32
    %dma_wait3A_113 = arith.constant 0 : i32
    %dma_wait3A_114 = arith.constant 0 : i32
    %dma_wait3A_115 = tpu.memref_slice %arg3[%dma_wait3A_111, %dma_wait3A_112, %dma_wait3A_113, %dma_wait3A_114] : memref<32x24x24x512xf32, #tpu.memory_space<any>> -> memref<4x24x24x512xf32, #tpu.memory_space<any>>
    tpu.wait_dma2 semaphore(%dma_wait3A_110 : memref<!tpu.dma_semaphore, #tpu.memory_space<semaphore_mem>>) src(%arg4 : memref<4x24x24x512xf32, #tpu.memory_space<vmem>>) dst(%dma_wait3A_115 : memref<4x24x24x512xf32, #tpu.memory_space<any>>)
    %dma_wait3A_116 = arith.constant 5 : i32
    %dma_wait3A_117 = tpu.memref_slice %arg5[%dma_wait3A_116] : memref<8x!tpu.dma_semaphore, #tpu.memory_space<semaphore_mem>> -> memref<1x!tpu.dma_semaphore, #tpu.memory_space<semaphore_mem>>
    %dma_wait3A_118 = tpu.memref_squeeze %dma_wait3A_117 : memref<1x!tpu.dma_semaphore, #tpu.memory_space<semaphore_mem>> -> memref<!tpu.dma_semaphore, #tpu.memory_space<semaphore_mem>>
    %dma_wait3A_119 = arith.constant 20 : i32
    %dma_wait3A_120 = arith.constant 0 : i32
    %dma_wait3A_121 = arith.constant 0 : i32
    %dma_wait3A_122 = arith.constant 0 : i32
    %dma_wait3A_123 = tpu.memref_slice %arg3[%dma_wait3A_119, %dma_wait3A_120, %dma_wait3A_121, %dma_wait3A_122] : memref<32x24x24x512xf32, #tpu.memory_space<any>> -> memref<4x24x24x512xf32, #tpu.memory_space<any>>
    tpu.wait_dma2 semaphore(%dma_wait3A_118 : memref<!tpu.dma_semaphore, #tpu.memory_space<semaphore_mem>>) src(%arg4 : memref<4x24x24x512xf32, #tpu.memory_space<vmem>>) dst(%dma_wait3A_123 : memref<4x24x24x512xf32, #tpu.memory_space<any>>)
    %dma_wait3A_124 = arith.constant 6 : i32
    %dma_wait3A_125 = tpu.memref_slice %arg5[%dma_wait3A_124] : memref<8x!tpu.dma_semaphore, #tpu.memory_space<semaphore_mem>> -> memref<1x!tpu.dma_semaphore, #tpu.memory_space<semaphore_mem>>
    %dma_wait3A_126 = tpu.memref_squeeze %dma_wait3A_125 : memref<1x!tpu.dma_semaphore, #tpu.memory_space<semaphore_mem>> -> memref<!tpu.dma_semaphore, #tpu.memory_space<semaphore_mem>>
    %dma_wait3A_127 = arith.constant 24 : i32
    %dma_wait3A_128 = arith.constant 0 : i32
    %dma_wait3A_129 = arith.constant 0 : i32
    %dma_wait3A_130 = arith.constant 0 : i32
    %dma_wait3A_131 = tpu.memref_slice %arg3[%dma_wait3A_127, %dma_wait3A_128, %dma_wait3A_129, %dma_wait3A_130] : memref<32x24x24x512xf32, #tpu.memory_space<any>> -> memref<4x24x24x512xf32, #tpu.memory_space<any>>
    tpu.wait_dma2 semaphore(%dma_wait3A_126 : memref<!tpu.dma_semaphore, #tpu.memory_space<semaphore_mem>>) src(%arg4 : memref<4x24x24x512xf32, #tpu.memory_space<vmem>>) dst(%dma_wait3A_131 : memref<4x24x24x512xf32, #tpu.memory_space<any>>)
    %dma_wait3A_132 = arith.constant 7 : i32
    %dma_wait3A_133 = tpu.memref_slice %arg5[%dma_wait3A_132] : memref<8x!tpu.dma_semaphore, #tpu.memory_space<semaphore_mem>> -> memref<1x!tpu.dma_semaphore, #tpu.memory_space<semaphore_mem>>
    %dma_wait3A_134 = tpu.memref_squeeze %dma_wait3A_133 : memref<1x!tpu.dma_semaphore, #tpu.memory_space<semaphore_mem>> -> memref<!tpu.dma_semaphore, #tpu.memory_space<semaphore_mem>>
    %dma_wait3A_135 = arith.constant 28 : i32
    %dma_wait3A_136 = arith.constant 0 : i32
    %dma_wait3A_137 = arith.constant 0 : i32
    %dma_wait3A_138 = arith.constant 0 : i32
    %dma_wait3A_139 = tpu.memref_slice %arg3[%dma_wait3A_135, %dma_wait3A_136, %dma_wait3A_137, %dma_wait3A_138] : memref<32x24x24x512xf32, #tpu.memory_space<any>> -> memref<4x24x24x512xf32, #tpu.memory_space<any>>
    tpu.wait_dma2 semaphore(%dma_wait3A_134 : memref<!tpu.dma_semaphore, #tpu.memory_space<semaphore_mem>>) src(%arg4 : memref<4x24x24x512xf32, #tpu.memory_space<vmem>>) dst(%dma_wait3A_139 : memref<4x24x24x512xf32, #tpu.memory_space<any>>)
    return
  }
  func.func @transform_0(%arg0: i32) -> (i32, i32) {
    %c0_i32 = arith.constant 0 : i32
    %c0_i32_0 = arith.constant 0 : i32
    %c0_i32_1 = arith.constant 0 : i32
    return %c0_i32, %c0_i32_0 : i32, i32
  }
  func.func @transform_1(%arg0: i32) -> (i32, i32) {
    %c0_i32 = arith.constant 0 : i32
    %c0_i32_0 = arith.constant 0 : i32
    %c0_i32_1 = arith.constant 0 : i32
    return %c0_i32, %c0_i32_0 : i32, i32
  }
}

</mosaic_0001>

<sc_bundles>
// kernel: kernel.4.cloned.1.call-start
scs
__scs_entry_jumppad:
0x0: {  	(pc) =	sbr.rel $0x88, $3  }
0x1: {  	(tag) =	ssettag $0x0;
	lr =	simm.s32 $0x1  }
0x2: {  	[smem:$0x3F9D] =	sst lr;
	_ =	strace $0xD0000000  }
0x3: {  	_ = 	snop  }
0x4: {  	_ = 	snop  }
0x5: {  	_ = 	snop  }
0x6: {  	_ = 	snop  }
0x7: {  	_ = 	snop  }
__scs_overlays_trampoline_lowered:
0x8: {  	[smem:$0x3FAC] =	sst s0  }
0x9: {  	[smem:$0x3FAD] =	sst s1  }
0xa: {  	[smem:$0x3FAE] =	sst s2  }
0xb: {  	[smem:$0x3FAF] =	sst s3  }
0xc: {  	[smem:$0x3FB0] =	sst s4  }
0xd: {  	[smem:$0x3FB1] =	sst s5  }
0xe: {  	[smem:$0x3FB2] =	sst s6  }
0xf: {  	[smem:$0x3FB3] =	sst s7  }
0x10: {  	[smem:$0x3FB4] =	sst s8  }
0x11: {  	[smem:$0x3FB5] =	sst s9;
	s0 =	simm.s32 @!p0 $0x0  }
0x12: {  	s1 =	sld [smem:$0x3F9B];
	s0 =	simm.s32 @p0 $0x1  }
0x13: {  	[smem:$0x3FB6] =	sst s0;
	s0 =	simm.s32 @!p1 $0x0  }
0x14: {  	s2 =	sld [smem:$0x3F9A];
	s0 =	simm.s32 @p1 $0x1  }
0x15: {  	[smem:$0x3FB7] =	sst s0;
	s0 =	simm.s32 @!p2 $0x0  }
0x16: {  	s3 =	sld [smem:$0x3FDB];
	s0 =	simm.s32 @p2 $0x1  }
0x17: {  	s4 =	simm.s32 $0x1BF5;
	[smem:$0x3FB9] =	sst s0  }
0x18: {  	s0 =	sld [smem:$0x3F9C];
	_ =	swait.ge [sflag:s4], $0x0  }
0x19: {  	s7 =	sld [smem:$0x3F9D]  }
0x1a: {  	s8 =	sadd.s32 $0xFFFFE003, lr  }
0x1b: {  	s9 =	sadd.s32 $0xFFFFFEF7, lr;
	s5 =	simm.s32 $0xFFFFFFFF;
	p2 =	slt.u32 s8, $0xFFFFF086  }
0x1c: {  	p1 =	slt.u32 s9, $0xF7A;
	s5 =	simm.s32 @!p2 $0x0  }
0x1d: {  	s5 =	simm.s32 @p1 $0x1;
	p0 =	seq.s32 s7, s2  }
0x1e: {  	s7 =	smul.u32 @!p0 $0xF7A, s2;
	p2 =	seq.s32 @!p0 s5, $0x0  }
0x1f: {  	s9 =	smul.u32 $0xF7A, s1;
	s8 =	simm.s32 @!p0 $0x1BF5;
	p2 =	por !p2, p0  }
0x20: {  	[sflag:s8] =	ssyncset.s32 @!p0 $0xFFFFF086;
	s6 =	sadd.s32 @!p0 s3, s7;
	s7 =	simm.s32 @!p0 $0x108  }
0x21: {  	s3 =	sadd.s32 s3, s9;
	s6 =	sadd.s32 @!p0 $0x88, s6;
	s7 =	simm.s32 @p2 $0x1082  }
0x22: {  	[simem:s7], [sflag:s8] =	dma.local @!p0 [hbm:s6], $0xF7A  }
0x23: {  	s9 =	sor.u32 $0xD0000000, s2;
	s6 =	simm.s32 $0x108;
	_ =	swait.ge @!p0 [sflag:s8], $0x0  }
0x24: {  	s3 =	sadd.s32 $0x88, s3;
	s6 =	simm.s32 @!p1 $0x1082;
	[sflag:s4] =	ssyncset.s32 $0xFFFFF086  }
0x25: {  	[simem:s6], [sflag:s4] =	dma.local [hbm:s3], $0xF7A  }
0x26: {  	[smem:$0x3F9D] =	sst s1;
	(tag) =	ssettag s2;
	_ =	strace s9  }
0x27: {  	s1 =	sld [smem:$0x3FAD]  }
0x28: {  	s2 =	sld [smem:$0x3FAE]  }
0x29: {  	s4 =	sld [smem:$0x3FB0]  }
0x2a: {  	p0 =	seq.s32 s5, $0x0;
	s5 =	sld [smem:$0x3FB1]  }
0x2b: {  	s6 =	sld [smem:$0x3FB2]  }
0x2c: {  	s7 =	sld [smem:$0x3FB3]  }
0x2d: {  	s3 =	simm.s32 $0x108;
	s8 =	sld [smem:$0x3FB4]  }
0x2e: {  	s3 =	simm.s32 @!p0 $0x1082;
	s9 =	sld [smem:$0x3FB5]  }
0x2f: {  	lr =	sadd.s32 s0, s3;
	s0 =	sld [smem:$0x3FAC]  }
0x30: {  	s3 =	sld [smem:$0x3FAF]  }
0x31: {  	[smem:$0x3FB8] =	sst s10  }
0x32: {  	s10 =	sld [smem:$0x3FB6];
	_ =	sdelay $0x3  }
0x33: {  	p0 =	seq.s32 s10, $0x1;
	s10 =	sld [smem:$0x3FB8];
	_ =	sdelay $0x3  }
0x34: {  	[smem:$0x3FB8] =	sst s10  }
0x35: {  	s10 =	sld [smem:$0x3FB7];
	_ =	sdelay $0x3  }
0x36: {  	p1 =	seq.s32 s10, $0x1;
	s10 =	sld [smem:$0x3FB8];
	_ =	sdelay $0x3  }
0x37: {  	[smem:$0x3FB8] =	sst s10  }
0x38: {  	s10 =	sld [smem:$0x3FB9]  }
0x39: {  	_ = 	snop;
	(pc) =	sbr.ind lr, $3  }
0x3a: {  	_ = 	snop  }
0x3b: {  	_ = 	snop  }
0x3c: {  	p2 =	seq.s32 s10, $0x1;
	s10 =	sld [smem:$0x3FB8]  }
0x3d: {  	_ =	shalt  }
0x3e: {  	_ =	shalt  }
0x3f: {  	_ =	shalt  }
0x40: {  	_ =	shalt  }
0x41: {  	_ =	shalt  }
0x42: {  	_ =	shalt  }
0x43: {  	_ =	shalt  }
0x44: {  	_ =	shalt  }
0x45: {  	_ =	shalt  }
0x46: {  	_ =	shalt  }
0x47: {  	_ =	shalt  }
0x48: {  	_ =	shalt  }
0x49: {  	_ =	shalt  }
0x4a: {  	_ =	shalt  }
0x4b: {  	_ =	shalt  }
0x4c: {  	_ =	shalt  }
0x4d: {  	_ =	shalt  }
0x4e: {  	_ =	shalt  }
0x4f: {  	_ =	shalt  }
0x50: {  	_ =	shalt  }
0x51: {  	_ =	shalt  }
0x52: {  	_ =	shalt  }
0x53: {  	_ =	shalt  }
0x54: {  	_ =	shalt  }
0x55: {  	_ =	shalt  }
0x56: {  	_ =	shalt  }
0x57: {  	_ =	shalt  }
0x58: {  	_ =	shalt  }
0x59: {  	_ =	shalt  }
0x5a: {  	_ =	shalt  }
0x5b: {  	_ =	shalt  }
0x5c: {  	_ =	shalt  }
0x5d: {  	_ =	shalt  }
0x5e: {  	_ =	shalt  }
0x5f: {  	_ =	shalt  }
0x60: {  	_ =	shalt  }
0x61: {  	_ =	shalt  }
0x62: {  	_ =	shalt  }
0x63: {  	_ =	shalt  }
0x64: {  	_ =	shalt  }
0x65: {  	_ =	shalt  }
0x66: {  	_ =	shalt  }
0x67: {  	_ =	shalt  }
0x68: {  	_ =	shalt  }
0x69: {  	_ =	shalt  }
0x6a: {  	_ =	shalt  }
0x6b: {  	_ =	shalt  }
0x6c: {  	_ =	shalt  }
0x6d: {  	_ =	shalt  }
0x6e: {  	_ =	shalt  }
0x6f: {  	_ =	shalt  }
0x70: {  	_ =	shalt  }
0x71: {  	_ =	shalt  }
0x72: {  	_ =	shalt  }
0x73: {  	_ =	shalt  }
0x74: {  	_ =	shalt  }
0x75: {  	_ =	shalt  }
0x76: {  	_ =	shalt  }
0x77: {  	_ =	shalt  }
0x78: {  	_ =	shalt  }
0x79: {  	_ =	shalt  }
0x7a: {  	_ =	shalt  }
0x7b: {  	_ =	shalt  }
0x7c: {  	_ =	shalt  }
0x7d: {  	_ =	shalt  }
0x7e: {  	_ =	shalt  }
0x7f: {  	_ =	shalt  }
0x80: {  	_ =	shalt  }
0x81: {  	_ =	shalt  }
0x82: {  	_ =	shalt  }
0x83: {  	_ =	shalt  }
0x84: {  	_ =	shalt  }
0x85: {  	_ =	shalt  }
0x86: {  	_ =	shalt  }
0x87: {  	_ =	shalt  }
.Lfunc_end0:
.L_simem_size_0:
called_computation_lowered:
.L_overlay_start_0:
0x88: {  	s2 =	sld [smem:$0x3FD9]  }
0x89: {  	s3 =	sld [smem:$0x3FFE];
	_ =	sdelay $0x1  }
0x8a: {  	s1 =	srdreg.scid  }
0x8b: {  	s0 =	sand.u32 $0x1, s1  }
0x8c: {  	s15 =	sshll.u32 s0, $0xA;
	s2 =	sadd.s32 s3, s2  }
0x8d: {  	s2 =	sadd.s32 s2, s15  }
0x8e: {  	[smem:$0x3FC4] =	sst s2  }
0x8f: {  	_ = 	snop  }
0x90: {  	s2 =	sld [smem:$0x3FD0];
	_ =	sdelay $0x1  }
0x91: {  	s16 =	sld [smem:$0x3FC7]  }
0x92: {  	s5 =	simm.s32 $0xA;
	s6 =	simm.s32 $0x10;
	s4 =	sld [smem:$0x3FC6]  }
0x93: {  	[smem:s6], [sflag:s5] =	dma.local [hbm:s2], $0x1  }
0x94: {  	_ =	swait.eq [sflag:s5], $0x1  }
0x95: {  	[sflag:s5] =	ssyncset.done $0x0  }
0x96: {  	[sflag:s5] =	ssyncadd.s32 $0xFFFFFFFF  }
0x97: {  	s17 =	sld [smem:$0x10];
	(tm) =	ssettm $0x1  }
0x98: {  	s18 =	sld [smem:$0x3FFB];
	_ =	sdelay $0x3  }
0x99: {  	_ =	strace s18  }
0x9a: {  	s5 =	sld [smem:$0x3FFC];
	_ =	sdelay $0x3  }
0x9b: {  	_ =	strace s5  }
0x9c: {  	s5 =	sld [smem:$0x3FFD];
	_ =	sdelay $0x3  }
0x9d: {  	_ =	strace s5  }
0x9e: {  	_ =	strace $0x8FFFFFFF  }
0x9f: {  	s19 =	sld [smem:$0x3FDB];
	_ =	sdelay $0x1  }
0xa0: {  	s20 =	simm.s32 $_scs_section_size  }
0xa1: {  	s7 =	simm.s32 $_size__tile_overlayer_lowered;
	s8 =	simm.s32 $_tile_overlayer_lowered  }
0xa2: {  	s23 =	simm.s32 $0x1BFF;
	s22 =	sshll.u32 s8, $0x1;
	s5 =	sadd.s32 s20, s19  }
0xa3: {  	s9 =	simm.s32 $0x0;
	s21 =	sshll.u32 s7, $0x1;
	s7 =	sadd.s32 s22, s5  }
0xa4: {  	[timem:s9], [sflag:s23] =	dma.local [hbm:s7], s21  }
0xa5: {  	_ =	swait.ge [sflag:s23], s21  }
0xa6: {  	s6 =	ssub.s32 $0x0, s21;
	[sflag:s23] =	ssyncset.done $0x0  }
0xa7: {  	[sflag:s23] =	ssyncadd.s32 s6;
	_ =	sdelay $0x1  }
0xa8: {  	s24 =	simm.s32 $0x1B8B  }
0xa9: {  	_ =	swait.ge [sflag:s24], $0x1  }
0xaa: {  	[sflag:s24] =	ssyncset.done $0x0  }
0xab: {  	s25 =	simm.s32 $0x1B8E;
	[sflag:s24] =	ssyncadd.s32 $0xFFFFFFFF  }
0xac: {  	s26 =	simm.s32 $execute0_lowered;
	[smem:$0x3FD2] =	sst s25  }
0xad: {  	s6 =	sshll.u32 s26, $0x1;
	_ =	strace $0x80000046;
	[dreg:$0x1] =	wrdreg $0xFFFFFFFF  }
0xae: {  	s28 =	simm.s32 $_size_execute0_lowered;
	s5 =	sadd.s32 s5, s6;
	[dreg:$0x0] =	wrdreg $0x0  }
0xaf: {  	s6 =	sshll.u32 s28, $0x1;
	[dreg:$0x2] =	wrdreg s5  }
0xb0: {  	[dreg:$0x3] =	wrdreg s6  }
0xb1: {  	[dreg:$0x4] =	wrdreg $0xC0  }
0xb2: {  	_ =	task [dreg:s9], $0x5FFFF  }
0xb3: {  	[dreg:$0x1] =	wrdreg $0xFFFFFFFF  }
0xb4: {  	[dreg:$0x0] =	wrdreg $0x60  }
0xb5: {  	[dreg:$0x2] =	wrdreg s16  }
0xb6: {  	[dreg:$0x3] =	wrdreg s4  }
0xb7: {  	[dreg:$0x4] =	wrdreg s17  }
0xb8: {  	[dreg:$0x5] =	wrdreg $0x9  }
0xb9: {  	_ =	task.clear_ibuf [dreg:s9], $0x6FFFF;
	_ =	strace $0x90000046  }
0xba: {  	s29 =	simm.s32 $0x9;
	_ =	strace $0x80000048  }
0xbb: {  	_ =	swait.ge [sflag:s29], $0x1  }
0xbc: {  	[sflag:s29] =	ssyncadd.s32 $0xFFFFFFFF  }
0xbd: {  	_ =	strace $0x90000048  }
0xbe: {  	_ =	sfence  }
0xbf: {  	s30 =	sld [smem:$0x0];
	_ =	sdelay $0x2  }
0xc0: {  	s31 =	sshll.u32 s1, $0xD;
	s1 =	sshrl.u32 s1, $0x2  }
0xc1: {  	s3 =	sand.u32 $0x4000, s31;
	s1 =	sadd.s32 s1, s30  }
0xc2: {  	s0 =	sor.u32 s3, s0;
	s1 =	sshll.u32 s1, $0x11  }
0xc3: {  	s0 =	sor.u32 s1, s0  }
0xc4: {  	s0 =	sadd.s32 $0x8F2B, s0  }
0xc5: {  	[sflag:s0] =	ssyncadd.remote.s32 $0x1  }
0xc6: {  	_ =	sfence.sel $0xFFFF  }
0xc7: {  	[dreg:$0x0] =	wrdreg $0xFFFFFFFF;
	(pc) =	sbr.abs _section_cstart, $3  }
0xc8: {  	[dreg:$0x1] =	wrdreg $0xFFFFFFFF  }
0xc9: {  	_ =	task.clear_ibuf [dreg:s9], $0x2FFFF;
	_ =	strace $0x9FFFFFFF  }
0xca: {  	(tm) =	ssettm $0x7FFFFFFF  }
0xcb: {  	_ =	shalt  }
tec
execute0_lowered:
.L_overlay_start_1:
0x0: {  	(tag) =	ssettag $0x1  }
0x1: {  	s1 =	rddreg [dreg:$0x0]  }
0x2: {  	s2 =	rddreg [dreg:$0x1]  }
0x3: {  	s8 =	rddreg [dreg:$0x2];
	s3 =	simm.s32 $0x0  }
0x4: {  	[smem:$0x7FF] =	sst s3  }
0x5: {  	s0 =	rddreg [dreg:$0x3];
	s4 =	simm.s32 $0x2;
	_ =	strace $0x80000047  }
0x6: {  	[tilespmem:s3], [sflag:$0x2] =	stream.linear.gather [hbm4b:s2+s3], $0x80, $0x38;
	[tilespmem:$0x180] =	vst v63  }
0x7: {  	_ =	swait.ge [sflag:s4], $0x80  }
0x8: {  	[sflag:s4] =	ssyncset.done $0x0  }
0x9: {  	[sflag:s4] =	ssyncadd.s32 $0xFFFFFF80  }
0xa: {  	v0 =	vld.msk [tilespmem:$0x0], $0x1;
	_ =	sdelay $0x4  }
0xb: {  	v1 =	vshll.u32 v0, $0x1  }
0xc: {  	v2 =	vand.u32 $0x7, v0;
	v1 =	vand.u32 $0xFFFFFFF0, v1  }
0xd: {  	v3 =	vlaneseq.u32;
	v0 =	vimm.s32 $0x0;
	v2 =	vor.u32 v2, v1  }
0xe: {  	v1 =	vmul.u32 $0x8, v3;
	v2 =	vperm.xlane v2, v0;
	_ =	sdelay $0x1  }
0xf: {  	v2 =	vadd.s32 v1, v2  }
0x10: {  	s6 =	srdreg.scid;
	s5 =	stileid.u32;
	s7 =	simm.s32 $0x1  }
0x11: {  	s9 =	sand.u32 $0x1, s6;
	s10 =	sshll.u32 s5, $0x7;
	s26 =	sshll.u32 s5, $0x5  }
0x12: {  	s6 =	simm.s32 $0x80;
	s11 =	sshll.u32 s9, $0x4;
	s12 =	sand.u32 $0x60, s26  }
0x13: {  	vm0 =	vmmov $0x3;
	s10 =	sand.u32 $0x600, s10;
	s28 =	ssub.s32 $0x2, s9;
	s9 =	simm.s32 $0x400  }
0x14: {  	[tilespmem:s6], [sflag:$0x1] =	stream.indirect_vreg.gather [hbm4b:s1+s3], $0x80, v2, vm0, $0xb8;
	[tilespmem:$0x180] =	vst v63  }
0x15: {  	s11 =	sor.u32 s11, s12;
	s30 =	sshrl.u32 s28, $0x1;
	_ =	swait.ge [sflag:s7], $0x100  }
0x16: {  	s29 =	sor.u32 s10, s11;
	s31 =	ssub.s32 s28, s30;
	[sflag:s7] =	ssyncset.done $0x0  }
0x17: {  	s8 =	sadd.s32 s8, s29;
	s11 =	smax.u32 s31, $0x1;
	[sflag:s7] =	ssyncadd.s32 $0xFFFFFF00  }
0x18: {  	[hbm4b:s8+s6] =	stream.strided.scatter [tilespmem:s6], [sflag:$0x2], $0x100, s9, s6, $0x38;
	[tilespmem:$0x180] =	vst v63  }
0x19: {  	p0 =	sne.s32 s11, $0x1;
	_ =	swait.ge [sflag:s4], $0x100  }
.Ltmp0:
0x1a: {  	[sflag:s4] =	ssyncset.done $0x0;
	(pc) =	sbr.rel @!p0 .LBB2_2-.Ltmp0, $4  }
0x1b: {  	s10 =	sadd.s32 $0x100, s8;
	[sflag:s4] =	ssyncadd.s32 $0xFFFFFF00  }
0x1c: {  	[hbm4b:s10+s6] =	stream.strided.scatter [tilespmem:s6], [sflag:$0x2], $0x100, s9, s6, $0x38;
	[tilespmem:$0x180] =	vst v63  }
0x1d: {  	_ =	swait.ge [sflag:s4], $0x100  }
0x1e: {  	s11 =	sadd.s32 $0xFFFFFFFF, s11;
	[sflag:s4] =	ssyncset.done $0x0  }
.LBB2_1:
0x1f: {  	p0 =	sne.s32 s11, $0x1;
	s11 =	sadd.s32 $0xFFFFFFFF, s11;
	[sflag:s4] =	ssyncadd.s32 $0xFFFFFF00  }
0x20: {  	[tilespmem:s3], [sflag:$0x2] =	stream.linear.gather [hbm4b:s2+s3], $0x80, $0x38;
	[tilespmem:$0x180] =	vst v63  }
0x21: {  	_ =	swait.ge [sflag:s4], $0x80  }
0x22: {  	[sflag:s4] =	ssyncset.done $0x0  }
0x23: {  	[sflag:s4] =	ssyncadd.s32 $0xFFFFFF80  }
0x24: {  	v2 =	vld.msk [tilespmem:$0x0], $0x1;
	_ =	sdelay $0x4  }
0x25: {  	v3 =	vshll.u32 v2, $0x1  }
0x26: {  	v2 =	vand.u32 $0x7, v2;
	v3 =	vand.u32 $0xFFFFFFF0, v3  }
0x27: {  	v2 =	vor.u32 v2, v3  }
0x28: {  	v2 =	vperm.xlane v2, v0;
	_ =	sdelay $0x1  }
0x29: {  	v2 =	vadd.s32 v1, v2;
	_ =	sdelay $0x4  }
0x2a: {  	[tilespmem:s6], [sflag:$0x1] =	stream.indirect_vreg.gather [hbm4b:s1+s3], $0x80, v2, vm0, $0xb8;
	[tilespmem:$0x180] =	vst v63  }
0x2b: {  	_ =	swait.ge [sflag:s7], $0x100  }
0x2c: {  	[sflag:s7] =	ssyncset.done $0x0  }
0x2d: {  	[sflag:s7] =	ssyncadd.s32 $0xFFFFFF00  }
0x2e: {  	[hbm4b:s8+s6] =	stream.strided.scatter [tilespmem:s6], [sflag:$0x2], $0x100, s9, s6, $0x38;
	[tilespmem:$0x180] =	vst v63  }
0x2f: {  	_ =	swait.ge [sflag:s4], $0x100  }
.Ltmp1:
0x30: {  	[sflag:s4] =	ssyncset.done $0x0;
	(pc) =	sbr.rel @p0 .LBB2_1-.Ltmp1, $4  }
0x31: {  	[sflag:s4] =	ssyncadd.s32 $0xFFFFFF00  }
0x32: {  	[hbm4b:s10+s6] =	stream.strided.scatter [tilespmem:s6], [sflag:$0x2], $0x100, s9, s6, $0x38;
	[tilespmem:$0x180] =	vst v63  }
0x33: {  	_ =	swait.ge [sflag:s4], $0x100  }
0x34: {  	[sflag:s4] =	ssyncset.done $0x0  }
.LBB2_2:
0x35: {  	[sflag:s4] =	ssyncadd.s32 $0xFFFFFF00  }
0x36: {  	_ =	sfence.sel $0x180000  }
0x37: {  	[bflag:$0x0] =	sbarrier.arrive $0xFFFF  }
0x38: {  	p0 =	sne.s32 s5, $0x0;
	_ =	strace $0x90000047  }
0x39: {  	s0 =	sadd.s32 @!p0 $0x100000, s0;
	[bflag:$0x2] =	sbarrier.arrive $0xFFFF  }
0x3a: {  	[sflag:s0] =	ssyncadd.tile.s32 @!p0 $0x1;
	_ =	shalt  }
.Lfunc_end2:
_tile_overlayer_lowered:
.L_overlay_start_2:
0x3b: {  	(tag) =	ssettag $0x2  }
0x3c: {  	s0 =	rddreg [dreg:$0x0];
	s2 =	stileid.u32  }
0x3d: {  	s1 =	rddreg [dreg:$0x1];
	p0 =	sne.s32 s2, $0x0  }
0x3e: {  	s3 =	rddreg [dreg:$0x2];
	[bflag:$0x3] =	sbarrier.arrive $0xFFFF;
	s2 =	simm.s32 @!p0 $0x1C02  }
0x3f: {  	[timem:s3], [sflag:s2] =	dma.local @!p0 [hbm:s0], s1  }
0x40: {  	s0 =	simm.s32 @!p0 $0x2  }
0x41: {  	_ =	swait.ge @!p0 [sflag:s0], s1  }
0x42: {  	s1 =	ssub.s32 @!p0 $0x0, s1;
	[sflag:s0] =	ssyncset.done @!p0 $0x0  }
0x43: {  	[sflag:s0] =	ssyncadd.s32 @!p0 s1  }
0x44: {  	[bflag:$0x3] =	sbarrier.arrive $0xFFFF  }
0x45: {  	_ =	shalt  }

</sc_bundles>
